<compile_context>
chip_gen: v7x
topology: tpu7x:2x2x1
jax: 0.10.2.dev20260603
libtpu: 0.0.44.dev20260713+nightly
codegen_flags: <defaults>
</compile_context>

<pallas_src>
import functools

import jax
import jax.numpy as jnp
from jax import lax
from jax.experimental import pallas as pl
from jax.experimental.pallas import tpu as pltpu
from jax.experimental.pallas import tpu_sc as plsc

_NUM_CODES = 8192
_DIM = 32
_IDX_CHUNK = 128


@functools.cache
def _codebook_gather(n_rows):
    info = plsc.get_sparse_core_info()
    n_cores, n_subcores = info.num_cores, info.num_subcores
    n_workers = n_cores * n_subcores
    b_per_w = n_rows // n_workers
    n_chunks = b_per_w // _IDX_CHUNK

    mesh = plsc.VectorSubcoreMesh(core_axis_name="c", subcore_axis_name="s")

    @functools.partial(
        pl.kernel,
        mesh=mesh,
        out_type=jax.ShapeDtypeStruct((n_rows, _DIM), jnp.float32),
        scratch_types=[
            pltpu.VMEM((n_chunks, _IDX_CHUNK), jnp.int32),
            pltpu.VMEM((n_chunks, _IDX_CHUNK, _DIM), jnp.float32),
            pltpu.SemaphoreType.DMA,
        ],
        compiler_params=pltpu.CompilerParams(use_tc_tiling_on_sc=False),
    )
    def gather(table_hbm, idx_hbm, out_hbm, idx_v, rows_v, sem):
        wid = lax.axis_index("s") * n_cores + lax.axis_index("c")
        base = wid * b_per_w
        copies = []
        for j in range(n_chunks):
            pltpu.sync_copy(idx_hbm.at[pl.ds(base + j * _IDX_CHUNK, _IDX_CHUNK)],
                            idx_v.at[j])
            copies.append(
                pltpu.async_copy(table_hbm.at[idx_v.at[j]], rows_v.at[j], sem))
        for j in range(n_chunks):
            copies[j].wait()
            pltpu.sync_copy(rows_v.at[j],
                            out_hbm.at[pl.ds(base + j * _IDX_CHUNK, _IDX_CHUNK)])

    return gather


def kernel(z, codebook):
    B, C, H, W = z.shape
    z_flattened = jnp.transpose(z, (0, 2, 3, 1))
    flat_z = z_flattened.reshape(-1, C)
    distances = (
        jnp.sum(flat_z ** 2, axis=1, keepdims=True)
        - 2.0 * jnp.matmul(flat_z, codebook.T)
        + jnp.sum(codebook ** 2, axis=1)
    )
    encoding_indices = jnp.argmin(distances, axis=1)

    qflat = _codebook_gather(flat_z.shape[0])(codebook, encoding_indices)

    quantized = qflat.reshape(z_flattened.shape)
    quantized = jnp.transpose(quantized, (0, 3, 1, 2))
    e_latent_loss = jnp.mean((jax.lax.stop_gradient(quantized) - z) ** 2)
    q_latent_loss = jnp.mean((quantized - jax.lax.stop_gradient(z)) ** 2)
    loss = q_latent_loss + 0.25 * e_latent_loss
    quantized_st = z + jax.lax.stop_gradient(quantized - z)
    return (quantized_st, loss)

# --- scband reference (transcript-rebuilt; emitter-appended) ---
"""Pipeline reference for scband-vector-quantizer-13159779794957 (READ-ONLY COPY).

The authoritative reference and input builder live on the scoring server;
editing this copy changes nothing except your own understanding.
"""

import jax, jax.numpy as jnp
import numpy as np

NUM_EMBEDDINGS = 8192
EMBEDDING_DIM = 32
COMMITMENT_COST = 0.25


def setup_inputs(seed: int = 0) -> dict:
    key = jax.random.key(seed)
    k1, k2 = jax.random.split(key)
    z = jax.random.normal(k1, (16, EMBEDDING_DIM, 32, 32), dtype=jnp.float32)
    codebook = jax.random.uniform(
        k2,
        (NUM_EMBEDDINGS, EMBEDDING_DIM),
        dtype=jnp.float32,
        minval=-1.0 / NUM_EMBEDDINGS,
        maxval=1.0 / NUM_EMBEDDINGS,
    )
    return {"z": z, "codebook": codebook}


def reference(z, codebook):
    B, C, H, W = z.shape
    z_flattened = jnp.transpose(z, (0, 2, 3, 1))
    flat_z = z_flattened.reshape(-1, C)
    distances = (
        jnp.sum(flat_z ** 2, axis=1, keepdims=True)
        - 2.0 * jnp.matmul(flat_z, codebook.T)
        + jnp.sum(codebook ** 2, axis=1)
    )
    encoding_indices = jnp.argmin(distances, axis=1)
    # one_hot @ codebook is mathematically a row gather; use jnp.take (SparseCore gather)
    quantized = jnp.take(codebook, encoding_indices, axis=0).reshape(z_flattened.shape)
    quantized = jnp.transpose(quantized, (0, 3, 1, 2))
    e_latent_loss = jnp.mean((jax.lax.stop_gradient(quantized) - z) ** 2)
    q_latent_loss = jnp.mean((quantized - jax.lax.stop_gradient(z)) ** 2)
    loss = q_latent_loss + COMMITMENT_COST * e_latent_loss
    quantized_st = z + jax.lax.stop_gradient(quantized - z)
    return (quantized_st, loss)

if __name__ == "__main__":
    import jax
    _d = setup_inputs()
    print(jax.jit(kernel)(*tuple(_d.values())))

</pallas_src>

<mosaic_0001>
#map = affine_map<(d0, d1) -> (0, 0)>
#map1 = affine_map<(d0, d1) -> (0)>
module attributes {stable_mosaic.version = 14 : i64} {
  func.func @gather(%arg0: i32, %arg1: i32, %arg2: memref<8192x32xf32, #tpu.memory_space<hbm>>, %arg3: memref<16384xi32, #tpu.memory_space<hbm>>, %arg4: memref<16384x32xf32, #tpu.memory_space<hbm>>, %arg5: memref<4x128xi32, #tpu.memory_space<vmem>>, %arg6: memref<4x128x32xf32, #tpu.memory_space<vmem>>, %arg7: memref<!tpu.dma_semaphore, #tpu.memory_space<semaphore_mem>>) attributes {dimension_semantics = [#tpu.dimension_semantics<core_parallel>, #tpu.dimension_semantics<subcore_parallel>], iteration_bounds = array<i64: 2, 16>, scalar_prefetch = 0 : i64, scratch_operands = 3 : i64, tpu.core_type = #tpu.core_type<sc_vector_subcore>, window_params = [{transform_indices = #map}, {transform_indices = #map1}, {transform_indices = #map}]} {
    %mul3A = arith.constant 2 : i32
    %mul3A_0 = arith.muli %arg1, %mul3A : i32
    %add3A = arith.addi %mul3A_0, %arg0 : i32
    %mul3A_1 = arith.constant 512 : i32
    %mul3A_2 = arith.muli %add3A, %mul3A_1 : i32
    %add3A_3 = arith.constant 0 : i32
    %add3A_4 = arith.addi %mul3A_2, %add3A_3 : i32
    %run_scoped3A = arith.constant 0 : i32
    "tpu.region"() ({
      %run_scoped3A_120 = tpu.sem_alloc : memref<!tpu.dma_semaphore, #tpu.memory_space<semaphore_mem>>
      %dma_start3A_121 = arith.constant 0 : i32
      %dma_start3A_122 = tpu.memref_slice %arg5[%run_scoped3A, %dma_start3A_121] : memref<4x128xi32, #tpu.memory_space<vmem>> -> memref<1x128xi32, #tpu.memory_space<vmem>>
      %dma_start3A_123 = tpu.memref_squeeze %dma_start3A_122 : memref<1x128xi32, #tpu.memory_space<vmem>> -> memref<128xi32, #tpu.memory_space<vmem>>
      %dma_start3A_124 = tpu.memref_slice %arg3[%add3A_4] : memref<16384xi32, #tpu.memory_space<hbm>> -> memref<128xi32, #tpu.memory_space<hbm>>
      %dma_start3A_125 = arith.constant 0 : i32
      %dma_start3A_126 = tpu.memref_slice %arg5[%run_scoped3A, %dma_start3A_125] : memref<4x128xi32, #tpu.memory_space<vmem>> -> memref<1x128xi32, #tpu.memory_space<vmem>>
      %dma_start3A_127 = tpu.memref_squeeze %dma_start3A_126 : memref<1x128xi32, #tpu.memory_space<vmem>> -> memref<128xi32, #tpu.memory_space<vmem>>
      %dma_start3A_128 = tpu.memref_slice %arg3[%add3A_4] : memref<16384xi32, #tpu.memory_space<hbm>> -> memref<128xi32, #tpu.memory_space<hbm>>
      tpu.enqueue_dma source(%dma_start3A_128 : memref<128xi32, #tpu.memory_space<hbm>>) target(%dma_start3A_127 : memref<128xi32, #tpu.memory_space<vmem>>) target_semaphore(%run_scoped3A_120 : memref<!tpu.dma_semaphore, #tpu.memory_space<semaphore_mem>>)
      %dma_wait3A_129 = arith.constant 0 : i32
      %dma_wait3A_130 = tpu.memref_slice %arg5[%run_scoped3A, %dma_wait3A_129] : memref<4x128xi32, #tpu.memory_space<vmem>> -> memref<1x128xi32, #tpu.memory_space<vmem>>
      %dma_wait3A_131 = tpu.memref_squeeze %dma_wait3A_130 : memref<1x128xi32, #tpu.memory_space<vmem>> -> memref<128xi32, #tpu.memory_space<vmem>>
      %dma_wait3A_132 = tpu.memref_slice %arg3[%add3A_4] : memref<16384xi32, #tpu.memory_space<hbm>> -> memref<128xi32, #tpu.memory_space<hbm>>
      %dma_wait3A_133 = arith.constant 0 : i32
      %dma_wait3A_134 = tpu.memref_slice %arg5[%run_scoped3A, %dma_wait3A_133] : memref<4x128xi32, #tpu.memory_space<vmem>> -> memref<1x128xi32, #tpu.memory_space<vmem>>
      %dma_wait3A_135 = tpu.memref_squeeze %dma_wait3A_134 : memref<1x128xi32, #tpu.memory_space<vmem>> -> memref<128xi32, #tpu.memory_space<vmem>>
      %dma_wait3A_136 = tpu.memref_slice %arg3[%add3A_4] : memref<16384xi32, #tpu.memory_space<hbm>> -> memref<128xi32, #tpu.memory_space<hbm>>
      tpu.wait_dma2 semaphore(%run_scoped3A_120 : memref<!tpu.dma_semaphore, #tpu.memory_space<semaphore_mem>>) src(%dma_wait3A_136 : memref<128xi32, #tpu.memory_space<hbm>>) dst(%dma_wait3A_135 : memref<128xi32, #tpu.memory_space<vmem>>)
      tpu.yield
    }) : () -> ()
    %dma_start3A = arith.constant 0 : i32
    %dma_start3A_5 = arith.constant 0 : i32
    %dma_start3A_6 = arith.constant 0 : i32
    %dma_start3A_7 = arith.constant 0 : i32
    %dma_start3A_8 = tpu.memref_slice %arg6[%dma_start3A_5, %dma_start3A_6, %dma_start3A_7] : memref<4x128x32xf32, #tpu.memory_space<vmem>> -> memref<1x128x32xf32, #tpu.memory_space<vmem>>
    %dma_start3A_9 = tpu.memref_squeeze %dma_start3A_8 : memref<1x128x32xf32, #tpu.memory_space<vmem>> -> memref<128x32xf32, #tpu.memory_space<vmem>>
    %dma_start3A_10 = arith.constant 0 : i32
    %dma_start3A_11 = tpu.memref_slice %arg5[%dma_start3A, %dma_start3A_10] : memref<4x128xi32, #tpu.memory_space<vmem>> -> memref<1x128xi32, #tpu.memory_space<vmem>>
    %dma_start3A_12 = tpu.memref_squeeze %dma_start3A_11 : memref<1x128xi32, #tpu.memory_space<vmem>> -> memref<128xi32, #tpu.memory_space<vmem>>
    %dma_start3A_13 = arith.constant 0 : i32
    %dma_start3A_14 = arith.constant 0 : i32
    %dma_start3A_15 = tpu.memref_slice %arg2[%dma_start3A_13, %dma_start3A_14] : memref<8192x32xf32, #tpu.memory_space<hbm>> -> memref<8192x32xf32, #tpu.memory_space<hbm>>
    tpu.enqueue_indirect_dma source(%dma_start3A_15 : memref<8192x32xf32, #tpu.memory_space<hbm>>) target(%dma_start3A_9 : memref<128x32xf32, #tpu.memory_space<vmem>>) offsets(%dma_start3A_12 : memref<128xi32, #tpu.memory_space<vmem>>) semaphore(%arg7 : memref<!tpu.dma_semaphore, #tpu.memory_space<semaphore_mem>>)
    %add3A_16 = arith.constant 128 : i32
    %add3A_17 = arith.addi %mul3A_2, %add3A_16 : i32
    %run_scoped3A_18 = arith.constant 1 : i32
    "tpu.region"() ({
      %run_scoped3A_120 = tpu.sem_alloc : memref<!tpu.dma_semaphore, #tpu.memory_space<semaphore_mem>>
      %dma_start3A_121 = arith.constant 0 : i32
      %dma_start3A_122 = tpu.memref_slice %arg5[%run_scoped3A_18, %dma_start3A_121] : memref<4x128xi32, #tpu.memory_space<vmem>> -> memref<1x128xi32, #tpu.memory_space<vmem>>
      %dma_start3A_123 = tpu.memref_squeeze %dma_start3A_122 : memref<1x128xi32, #tpu.memory_space<vmem>> -> memref<128xi32, #tpu.memory_space<vmem>>
      %dma_start3A_124 = tpu.memref_slice %arg3[%add3A_17] : memref<16384xi32, #tpu.memory_space<hbm>> -> memref<128xi32, #tpu.memory_space<hbm>>
      %dma_start3A_125 = arith.constant 0 : i32
      %dma_start3A_126 = tpu.memref_slice %arg5[%run_scoped3A_18, %dma_start3A_125] : memref<4x128xi32, #tpu.memory_space<vmem>> -> memref<1x128xi32, #tpu.memory_space<vmem>>
      %dma_start3A_127 = tpu.memref_squeeze %dma_start3A_126 : memref<1x128xi32, #tpu.memory_space<vmem>> -> memref<128xi32, #tpu.memory_space<vmem>>
      %dma_start3A_128 = tpu.memref_slice %arg3[%add3A_17] : memref<16384xi32, #tpu.memory_space<hbm>> -> memref<128xi32, #tpu.memory_space<hbm>>
      tpu.enqueue_dma source(%dma_start3A_128 : memref<128xi32, #tpu.memory_space<hbm>>) target(%dma_start3A_127 : memref<128xi32, #tpu.memory_space<vmem>>) target_semaphore(%run_scoped3A_120 : memref<!tpu.dma_semaphore, #tpu.memory_space<semaphore_mem>>)
      %dma_wait3A_129 = arith.constant 0 : i32
      %dma_wait3A_130 = tpu.memref_slice %arg5[%run_scoped3A_18, %dma_wait3A_129] : memref<4x128xi32, #tpu.memory_space<vmem>> -> memref<1x128xi32, #tpu.memory_space<vmem>>
      %dma_wait3A_131 = tpu.memref_squeeze %dma_wait3A_130 : memref<1x128xi32, #tpu.memory_space<vmem>> -> memref<128xi32, #tpu.memory_space<vmem>>
      %dma_wait3A_132 = tpu.memref_slice %arg3[%add3A_17] : memref<16384xi32, #tpu.memory_space<hbm>> -> memref<128xi32, #tpu.memory_space<hbm>>
      %dma_wait3A_133 = arith.constant 0 : i32
      %dma_wait3A_134 = tpu.memref_slice %arg5[%run_scoped3A_18, %dma_wait3A_133] : memref<4x128xi32, #tpu.memory_space<vmem>> -> memref<1x128xi32, #tpu.memory_space<vmem>>
      %dma_wait3A_135 = tpu.memref_squeeze %dma_wait3A_134 : memref<1x128xi32, #tpu.memory_space<vmem>> -> memref<128xi32, #tpu.memory_space<vmem>>
      %dma_wait3A_136 = tpu.memref_slice %arg3[%add3A_17] : memref<16384xi32, #tpu.memory_space<hbm>> -> memref<128xi32, #tpu.memory_space<hbm>>
      tpu.wait_dma2 semaphore(%run_scoped3A_120 : memref<!tpu.dma_semaphore, #tpu.memory_space<semaphore_mem>>) src(%dma_wait3A_136 : memref<128xi32, #tpu.memory_space<hbm>>) dst(%dma_wait3A_135 : memref<128xi32, #tpu.memory_space<vmem>>)
      tpu.yield
    }) : () -> ()
    %dma_start3A_19 = arith.constant 1 : i32
    %dma_start3A_20 = arith.constant 1 : i32
    %dma_start3A_21 = arith.constant 0 : i32
    %dma_start3A_22 = arith.constant 0 : i32
    %dma_start3A_23 = tpu.memref_slice %arg6[%dma_start3A_20, %dma_start3A_21, %dma_start3A_22] : memref<4x128x32xf32, #tpu.memory_space<vmem>> -> memref<1x128x32xf32, #tpu.memory_space<vmem>>
    %dma_start3A_24 = tpu.memref_squeeze %dma_start3A_23 : memref<1x128x32xf32, #tpu.memory_space<vmem>> -> memref<128x32xf32, #tpu.memory_space<vmem>>
    %dma_start3A_25 = arith.constant 0 : i32
    %dma_start3A_26 = tpu.memref_slice %arg5[%dma_start3A_19, %dma_start3A_25] : memref<4x128xi32, #tpu.memory_space<vmem>> -> memref<1x128xi32, #tpu.memory_space<vmem>>
    %dma_start3A_27 = tpu.memref_squeeze %dma_start3A_26 : memref<1x128xi32, #tpu.memory_space<vmem>> -> memref<128xi32, #tpu.memory_space<vmem>>
    %dma_start3A_28 = arith.constant 0 : i32
    %dma_start3A_29 = arith.constant 0 : i32
    %dma_start3A_30 = tpu.memref_slice %arg2[%dma_start3A_28, %dma_start3A_29] : memref<8192x32xf32, #tpu.memory_space<hbm>> -> memref<8192x32xf32, #tpu.memory_space<hbm>>
    tpu.enqueue_indirect_dma source(%dma_start3A_30 : memref<8192x32xf32, #tpu.memory_space<hbm>>) target(%dma_start3A_24 : memref<128x32xf32, #tpu.memory_space<vmem>>) offsets(%dma_start3A_27 : memref<128xi32, #tpu.memory_space<vmem>>) semaphore(%arg7 : memref<!tpu.dma_semaphore, #tpu.memory_space<semaphore_mem>>)
    %add3A_31 = arith.constant 256 : i32
    %add3A_32 = arith.addi %mul3A_2, %add3A_31 : i32
    %run_scoped3A_33 = arith.constant 2 : i32
    "tpu.region"() ({
      %run_scoped3A_120 = tpu.sem_alloc : memref<!tpu.dma_semaphore, #tpu.memory_space<semaphore_mem>>
      %dma_start3A_121 = arith.constant 0 : i32
      %dma_start3A_122 = tpu.memref_slice %arg5[%run_scoped3A_33, %dma_start3A_121] : memref<4x128xi32, #tpu.memory_space<vmem>> -> memref<1x128xi32, #tpu.memory_space<vmem>>
      %dma_start3A_123 = tpu.memref_squeeze %dma_start3A_122 : memref<1x128xi32, #tpu.memory_space<vmem>> -> memref<128xi32, #tpu.memory_space<vmem>>
      %dma_start3A_124 = tpu.memref_slice %arg3[%add3A_32] : memref<16384xi32, #tpu.memory_space<hbm>> -> memref<128xi32, #tpu.memory_space<hbm>>
      %dma_start3A_125 = arith.constant 0 : i32
      %dma_start3A_126 = tpu.memref_slice %arg5[%run_scoped3A_33, %dma_start3A_125] : memref<4x128xi32, #tpu.memory_space<vmem>> -> memref<1x128xi32, #tpu.memory_space<vmem>>
      %dma_start3A_127 = tpu.memref_squeeze %dma_start3A_126 : memref<1x128xi32, #tpu.memory_space<vmem>> -> memref<128xi32, #tpu.memory_space<vmem>>
      %dma_start3A_128 = tpu.memref_slice %arg3[%add3A_32] : memref<16384xi32, #tpu.memory_space<hbm>> -> memref<128xi32, #tpu.memory_space<hbm>>
      tpu.enqueue_dma source(%dma_start3A_128 : memref<128xi32, #tpu.memory_space<hbm>>) target(%dma_start3A_127 : memref<128xi32, #tpu.memory_space<vmem>>) target_semaphore(%run_scoped3A_120 : memref<!tpu.dma_semaphore, #tpu.memory_space<semaphore_mem>>)
      %dma_wait3A_129 = arith.constant 0 : i32
      %dma_wait3A_130 = tpu.memref_slice %arg5[%run_scoped3A_33, %dma_wait3A_129] : memref<4x128xi32, #tpu.memory_space<vmem>> -> memref<1x128xi32, #tpu.memory_space<vmem>>
      %dma_wait3A_131 = tpu.memref_squeeze %dma_wait3A_130 : memref<1x128xi32, #tpu.memory_space<vmem>> -> memref<128xi32, #tpu.memory_space<vmem>>
      %dma_wait3A_132 = tpu.memref_slice %arg3[%add3A_32] : memref<16384xi32, #tpu.memory_space<hbm>> -> memref<128xi32, #tpu.memory_space<hbm>>
      %dma_wait3A_133 = arith.constant 0 : i32
      %dma_wait3A_134 = tpu.memref_slice %arg5[%run_scoped3A_33, %dma_wait3A_133] : memref<4x128xi32, #tpu.memory_space<vmem>> -> memref<1x128xi32, #tpu.memory_space<vmem>>
      %dma_wait3A_135 = tpu.memref_squeeze %dma_wait3A_134 : memref<1x128xi32, #tpu.memory_space<vmem>> -> memref<128xi32, #tpu.memory_space<vmem>>
      %dma_wait3A_136 = tpu.memref_slice %arg3[%add3A_32] : memref<16384xi32, #tpu.memory_space<hbm>> -> memref<128xi32, #tpu.memory_space<hbm>>
      tpu.wait_dma2 semaphore(%run_scoped3A_120 : memref<!tpu.dma_semaphore, #tpu.memory_space<semaphore_mem>>) src(%dma_wait3A_136 : memref<128xi32, #tpu.memory_space<hbm>>) dst(%dma_wait3A_135 : memref<128xi32, #tpu.memory_space<vmem>>)
      tpu.yield
    }) : () -> ()
    %dma_start3A_34 = arith.constant 2 : i32
    %dma_start3A_35 = arith.constant 2 : i32
    %dma_start3A_36 = arith.constant 0 : i32
    %dma_start3A_37 = arith.constant 0 : i32
    %dma_start3A_38 = tpu.memref_slice %arg6[%dma_start3A_35, %dma_start3A_36, %dma_start3A_37] : memref<4x128x32xf32, #tpu.memory_space<vmem>> -> memref<1x128x32xf32, #tpu.memory_space<vmem>>
    %dma_start3A_39 = tpu.memref_squeeze %dma_start3A_38 : memref<1x128x32xf32, #tpu.memory_space<vmem>> -> memref<128x32xf32, #tpu.memory_space<vmem>>
    %dma_start3A_40 = arith.constant 0 : i32
    %dma_start3A_41 = tpu.memref_slice %arg5[%dma_start3A_34, %dma_start3A_40] : memref<4x128xi32, #tpu.memory_space<vmem>> -> memref<1x128xi32, #tpu.memory_space<vmem>>
    %dma_start3A_42 = tpu.memref_squeeze %dma_start3A_41 : memref<1x128xi32, #tpu.memory_space<vmem>> -> memref<128xi32, #tpu.memory_space<vmem>>
    %dma_start3A_43 = arith.constant 0 : i32
    %dma_start3A_44 = arith.constant 0 : i32
    %dma_start3A_45 = tpu.memref_slice %arg2[%dma_start3A_43, %dma_start3A_44] : memref<8192x32xf32, #tpu.memory_space<hbm>> -> memref<8192x32xf32, #tpu.memory_space<hbm>>
    tpu.enqueue_indirect_dma source(%dma_start3A_45 : memref<8192x32xf32, #tpu.memory_space<hbm>>) target(%dma_start3A_39 : memref<128x32xf32, #tpu.memory_space<vmem>>) offsets(%dma_start3A_42 : memref<128xi32, #tpu.memory_space<vmem>>) semaphore(%arg7 : memref<!tpu.dma_semaphore, #tpu.memory_space<semaphore_mem>>)
    %add3A_46 = arith.constant 384 : i32
    %add3A_47 = arith.addi %mul3A_2, %add3A_46 : i32
    %run_scoped3A_48 = arith.constant 3 : i32
    "tpu.region"() ({
      %run_scoped3A_120 = tpu.sem_alloc : memref<!tpu.dma_semaphore, #tpu.memory_space<semaphore_mem>>
      %dma_start3A_121 = arith.constant 0 : i32
      %dma_start3A_122 = tpu.memref_slice %arg5[%run_scoped3A_48, %dma_start3A_121] : memref<4x128xi32, #tpu.memory_space<vmem>> -> memref<1x128xi32, #tpu.memory_space<vmem>>
      %dma_start3A_123 = tpu.memref_squeeze %dma_start3A_122 : memref<1x128xi32, #tpu.memory_space<vmem>> -> memref<128xi32, #tpu.memory_space<vmem>>
      %dma_start3A_124 = tpu.memref_slice %arg3[%add3A_47] : memref<16384xi32, #tpu.memory_space<hbm>> -> memref<128xi32, #tpu.memory_space<hbm>>
      %dma_start3A_125 = arith.constant 0 : i32
      %dma_start3A_126 = tpu.memref_slice %arg5[%run_scoped3A_48, %dma_start3A_125] : memref<4x128xi32, #tpu.memory_space<vmem>> -> memref<1x128xi32, #tpu.memory_space<vmem>>
      %dma_start3A_127 = tpu.memref_squeeze %dma_start3A_126 : memref<1x128xi32, #tpu.memory_space<vmem>> -> memref<128xi32, #tpu.memory_space<vmem>>
      %dma_start3A_128 = tpu.memref_slice %arg3[%add3A_47] : memref<16384xi32, #tpu.memory_space<hbm>> -> memref<128xi32, #tpu.memory_space<hbm>>
      tpu.enqueue_dma source(%dma_start3A_128 : memref<128xi32, #tpu.memory_space<hbm>>) target(%dma_start3A_127 : memref<128xi32, #tpu.memory_space<vmem>>) target_semaphore(%run_scoped3A_120 : memref<!tpu.dma_semaphore, #tpu.memory_space<semaphore_mem>>)
      %dma_wait3A_129 = arith.constant 0 : i32
      %dma_wait3A_130 = tpu.memref_slice %arg5[%run_scoped3A_48, %dma_wait3A_129] : memref<4x128xi32, #tpu.memory_space<vmem>> -> memref<1x128xi32, #tpu.memory_space<vmem>>
      %dma_wait3A_131 = tpu.memref_squeeze %dma_wait3A_130 : memref<1x128xi32, #tpu.memory_space<vmem>> -> memref<128xi32, #tpu.memory_space<vmem>>
      %dma_wait3A_132 = tpu.memref_slice %arg3[%add3A_47] : memref<16384xi32, #tpu.memory_space<hbm>> -> memref<128xi32, #tpu.memory_space<hbm>>
      %dma_wait3A_133 = arith.constant 0 : i32
      %dma_wait3A_134 = tpu.memref_slice %arg5[%run_scoped3A_48, %dma_wait3A_133] : memref<4x128xi32, #tpu.memory_space<vmem>> -> memref<1x128xi32, #tpu.memory_space<vmem>>
      %dma_wait3A_135 = tpu.memref_squeeze %dma_wait3A_134 : memref<1x128xi32, #tpu.memory_space<vmem>> -> memref<128xi32, #tpu.memory_space<vmem>>
      %dma_wait3A_136 = tpu.memref_slice %arg3[%add3A_47] : memref<16384xi32, #tpu.memory_space<hbm>> -> memref<128xi32, #tpu.memory_space<hbm>>
      tpu.wait_dma2 semaphore(%run_scoped3A_120 : memref<!tpu.dma_semaphore, #tpu.memory_space<semaphore_mem>>) src(%dma_wait3A_136 : memref<128xi32, #tpu.memory_space<hbm>>) dst(%dma_wait3A_135 : memref<128xi32, #tpu.memory_space<vmem>>)
      tpu.yield
    }) : () -> ()
    %dma_start3A_49 = arith.constant 3 : i32
    %dma_start3A_50 = arith.constant 3 : i32
    %dma_start3A_51 = arith.constant 0 : i32
    %dma_start3A_52 = arith.constant 0 : i32
    %dma_start3A_53 = tpu.memref_slice %arg6[%dma_start3A_50, %dma_start3A_51, %dma_start3A_52] : memref<4x128x32xf32, #tpu.memory_space<vmem>> -> memref<1x128x32xf32, #tpu.memory_space<vmem>>
    %dma_start3A_54 = tpu.memref_squeeze %dma_start3A_53 : memref<1x128x32xf32, #tpu.memory_space<vmem>> -> memref<128x32xf32, #tpu.memory_space<vmem>>
    %dma_start3A_55 = arith.constant 0 : i32
    %dma_start3A_56 = tpu.memref_slice %arg5[%dma_start3A_49, %dma_start3A_55] : memref<4x128xi32, #tpu.memory_space<vmem>> -> memref<1x128xi32, #tpu.memory_space<vmem>>
    %dma_start3A_57 = tpu.memref_squeeze %dma_start3A_56 : memref<1x128xi32, #tpu.memory_space<vmem>> -> memref<128xi32, #tpu.memory_space<vmem>>
    %dma_start3A_58 = arith.constant 0 : i32
    %dma_start3A_59 = arith.constant 0 : i32
    %dma_start3A_60 = tpu.memref_slice %arg2[%dma_start3A_58, %dma_start3A_59] : memref<8192x32xf32, #tpu.memory_space<hbm>> -> memref<8192x32xf32, #tpu.memory_space<hbm>>
    tpu.enqueue_indirect_dma source(%dma_start3A_60 : memref<8192x32xf32, #tpu.memory_space<hbm>>) target(%dma_start3A_54 : memref<128x32xf32, #tpu.memory_space<vmem>>) offsets(%dma_start3A_57 : memref<128xi32, #tpu.memory_space<vmem>>) semaphore(%arg7 : memref<!tpu.dma_semaphore, #tpu.memory_space<semaphore_mem>>)
    %dma_wait3A = arith.constant 0 : i32
    %dma_wait3A_61 = arith.constant 0 : i32
    %dma_wait3A_62 = arith.constant 0 : i32
    %dma_wait3A_63 = arith.constant 0 : i32
    %dma_wait3A_64 = tpu.memref_slice %arg6[%dma_wait3A_61, %dma_wait3A_62, %dma_wait3A_63] : memref<4x128x32xf32, #tpu.memory_space<vmem>> -> memref<1x128x32xf32, #tpu.memory_space<vmem>>
    %dma_wait3A_65 = tpu.memref_squeeze %dma_wait3A_64 : memref<1x128x32xf32, #tpu.memory_space<vmem>> -> memref<128x32xf32, #tpu.memory_space<vmem>>
    %dma_wait3A_66 = arith.constant 0 : i32
    %dma_wait3A_67 = tpu.memref_slice %arg5[%dma_wait3A, %dma_wait3A_66] : memref<4x128xi32, #tpu.memory_space<vmem>> -> memref<1x128xi32, #tpu.memory_space<vmem>>
    %dma_wait3A_68 = tpu.memref_squeeze %dma_wait3A_67 : memref<1x128xi32, #tpu.memory_space<vmem>> -> memref<128xi32, #tpu.memory_space<vmem>>
    %dma_wait3A_69 = arith.constant 0 : i32
    %dma_wait3A_70 = arith.constant 0 : i32
    %dma_wait3A_71 = tpu.memref_slice %arg2[%dma_wait3A_69, %dma_wait3A_70] : memref<8192x32xf32, #tpu.memory_space<hbm>> -> memref<8192x32xf32, #tpu.memory_space<hbm>>
    tpu.wait_indirect_dma semaphore(%arg7 : memref<!tpu.dma_semaphore, #tpu.memory_space<semaphore_mem>>) src(%dma_wait3A_71 : memref<8192x32xf32, #tpu.memory_space<hbm>>) dst(%dma_wait3A_65 : memref<128x32xf32, #tpu.memory_space<vmem>>)
    %add3A_72 = arith.constant 0 : i32
    %add3A_73 = arith.addi %mul3A_2, %add3A_72 : i32
    %run_scoped3A_74 = arith.constant 0 : i32
    "tpu.region"() ({
      %run_scoped3A_120 = tpu.sem_alloc : memref<!tpu.dma_semaphore, #tpu.memory_space<semaphore_mem>>
      %dma_start3A_121 = arith.constant 0 : i32
      %dma_start3A_122 = arith.constant 0 : i32
      %dma_start3A_123 = tpu.memref_slice %arg6[%run_scoped3A_74, %dma_start3A_121, %dma_start3A_122] : memref<4x128x32xf32, #tpu.memory_space<vmem>> -> memref<1x128x32xf32, #tpu.memory_space<vmem>>
      %dma_start3A_124 = tpu.memref_squeeze %dma_start3A_123 : memref<1x128x32xf32, #tpu.memory_space<vmem>> -> memref<128x32xf32, #tpu.memory_space<vmem>>
      %dma_start3A_125 = arith.constant 0 : i32
      %dma_start3A_126 = tpu.memref_slice %arg4[%add3A_73, %dma_start3A_125] : memref<16384x32xf32, #tpu.memory_space<hbm>> -> memref<128x32xf32, #tpu.memory_space<hbm>>
      %dma_start3A_127 = arith.constant 0 : i32
      %dma_start3A_128 = tpu.memref_slice %arg4[%add3A_73, %dma_start3A_127] : memref<16384x32xf32, #tpu.memory_space<hbm>> -> memref<128x32xf32, #tpu.memory_space<hbm>>
      %dma_start3A_129 = arith.constant 0 : i32
      %dma_start3A_130 = arith.constant 0 : i32
      %dma_start3A_131 = tpu.memref_slice %arg6[%run_scoped3A_74, %dma_start3A_129, %dma_start3A_130] : memref<4x128x32xf32, #tpu.memory_space<vmem>> -> memref<1x128x32xf32, #tpu.memory_space<vmem>>
      %dma_start3A_132 = tpu.memref_squeeze %dma_start3A_131 : memref<1x128x32xf32, #tpu.memory_space<vmem>> -> memref<128x32xf32, #tpu.memory_space<vmem>>
      tpu.enqueue_dma source(%dma_start3A_132 : memref<128x32xf32, #tpu.memory_space<vmem>>) target(%dma_start3A_128 : memref<128x32xf32, #tpu.memory_space<hbm>>) target_semaphore(%run_scoped3A_120 : memref<!tpu.dma_semaphore, #tpu.memory_space<semaphore_mem>>)
      %dma_wait3A_133 = arith.constant 0 : i32
      %dma_wait3A_134 = arith.constant 0 : i32
      %dma_wait3A_135 = tpu.memref_slice %arg6[%run_scoped3A_74, %dma_wait3A_133, %dma_wait3A_134] : memref<4x128x32xf32, #tpu.memory_space<vmem>> -> memref<1x128x32xf32, #tpu.memory_space<vmem>>
      %dma_wait3A_136 = tpu.memref_squeeze %dma_wait3A_135 : memref<1x128x32xf32, #tpu.memory_space<vmem>> -> memref<128x32xf32, #tpu.memory_space<vmem>>
      %dma_wait3A_137 = arith.constant 0 : i32
      %dma_wait3A_138 = tpu.memref_slice %arg4[%add3A_73, %dma_wait3A_137] : memref<16384x32xf32, #tpu.memory_space<hbm>> -> memref<128x32xf32, #tpu.memory_space<hbm>>
      %dma_wait3A_139 = arith.constant 0 : i32
      %dma_wait3A_140 = tpu.memref_slice %arg4[%add3A_73, %dma_wait3A_139] : memref<16384x32xf32, #tpu.memory_space<hbm>> -> memref<128x32xf32, #tpu.memory_space<hbm>>
      %dma_wait3A_141 = arith.constant 0 : i32
      %dma_wait3A_142 = arith.constant 0 : i32
      %dma_wait3A_143 = tpu.memref_slice %arg6[%run_scoped3A_74, %dma_wait3A_141, %dma_wait3A_142] : memref<4x128x32xf32, #tpu.memory_space<vmem>> -> memref<1x128x32xf32, #tpu.memory_space<vmem>>
      %dma_wait3A_144 = tpu.memref_squeeze %dma_wait3A_143 : memref<1x128x32xf32, #tpu.memory_space<vmem>> -> memref<128x32xf32, #tpu.memory_space<vmem>>
      tpu.wait_dma2 semaphore(%run_scoped3A_120 : memref<!tpu.dma_semaphore, #tpu.memory_space<semaphore_mem>>) src(%dma_wait3A_144 : memref<128x32xf32, #tpu.memory_space<vmem>>) dst(%dma_wait3A_140 : memref<128x32xf32, #tpu.memory_space<hbm>>)
      tpu.yield
    }) : () -> ()
    %dma_wait3A_75 = arith.constant 1 : i32
    %dma_wait3A_76 = arith.constant 1 : i32
    %dma_wait3A_77 = arith.constant 0 : i32
    %dma_wait3A_78 = arith.constant 0 : i32
    %dma_wait3A_79 = tpu.memref_slice %arg6[%dma_wait3A_76, %dma_wait3A_77, %dma_wait3A_78] : memref<4x128x32xf32, #tpu.memory_space<vmem>> -> memref<1x128x32xf32, #tpu.memory_space<vmem>>
    %dma_wait3A_80 = tpu.memref_squeeze %dma_wait3A_79 : memref<1x128x32xf32, #tpu.memory_space<vmem>> -> memref<128x32xf32, #tpu.memory_space<vmem>>
    %dma_wait3A_81 = arith.constant 0 : i32
    %dma_wait3A_82 = tpu.memref_slice %arg5[%dma_wait3A_75, %dma_wait3A_81] : memref<4x128xi32, #tpu.memory_space<vmem>> -> memref<1x128xi32, #tpu.memory_space<vmem>>
    %dma_wait3A_83 = tpu.memref_squeeze %dma_wait3A_82 : memref<1x128xi32, #tpu.memory_space<vmem>> -> memref<128xi32, #tpu.memory_space<vmem>>
    %dma_wait3A_84 = arith.constant 0 : i32
    %dma_wait3A_85 = arith.constant 0 : i32
    %dma_wait3A_86 = tpu.memref_slice %arg2[%dma_wait3A_84, %dma_wait3A_85] : memref<8192x32xf32, #tpu.memory_space<hbm>> -> memref<8192x32xf32, #tpu.memory_space<hbm>>
    tpu.wait_indirect_dma semaphore(%arg7 : memref<!tpu.dma_semaphore, #tpu.memory_space<semaphore_mem>>) src(%dma_wait3A_86 : memref<8192x32xf32, #tpu.memory_space<hbm>>) dst(%dma_wait3A_80 : memref<128x32xf32, #tpu.memory_space<vmem>>)
    %add3A_87 = arith.constant 128 : i32
    %add3A_88 = arith.addi %mul3A_2, %add3A_87 : i32
    %run_scoped3A_89 = arith.constant 1 : i32
    "tpu.region"() ({
      %run_scoped3A_120 = tpu.sem_alloc : memref<!tpu.dma_semaphore, #tpu.memory_space<semaphore_mem>>
      %dma_start3A_121 = arith.constant 0 : i32
      %dma_start3A_122 = arith.constant 0 : i32
      %dma_start3A_123 = tpu.memref_slice %arg6[%run_scoped3A_89, %dma_start3A_121, %dma_start3A_122] : memref<4x128x32xf32, #tpu.memory_space<vmem>> -> memref<1x128x32xf32, #tpu.memory_space<vmem>>
      %dma_start3A_124 = tpu.memref_squeeze %dma_start3A_123 : memref<1x128x32xf32, #tpu.memory_space<vmem>> -> memref<128x32xf32, #tpu.memory_space<vmem>>
      %dma_start3A_125 = arith.constant 0 : i32
      %dma_start3A_126 = tpu.memref_slice %arg4[%add3A_88, %dma_start3A_125] : memref<16384x32xf32, #tpu.memory_space<hbm>> -> memref<128x32xf32, #tpu.memory_space<hbm>>
      %dma_start3A_127 = arith.constant 0 : i32
      %dma_start3A_128 = tpu.memref_slice %arg4[%add3A_88, %dma_start3A_127] : memref<16384x32xf32, #tpu.memory_space<hbm>> -> memref<128x32xf32, #tpu.memory_space<hbm>>
      %dma_start3A_129 = arith.constant 0 : i32
      %dma_start3A_130 = arith.constant 0 : i32
      %dma_start3A_131 = tpu.memref_slice %arg6[%run_scoped3A_89, %dma_start3A_129, %dma_start3A_130] : memref<4x128x32xf32, #tpu.memory_space<vmem>> -> memref<1x128x32xf32, #tpu.memory_space<vmem>>
      %dma_start3A_132 = tpu.memref_squeeze %dma_start3A_131 : memref<1x128x32xf32, #tpu.memory_space<vmem>> -> memref<128x32xf32, #tpu.memory_space<vmem>>
      tpu.enqueue_dma source(%dma_start3A_132 : memref<128x32xf32, #tpu.memory_space<vmem>>) target(%dma_start3A_128 : memref<128x32xf32, #tpu.memory_space<hbm>>) target_semaphore(%run_scoped3A_120 : memref<!tpu.dma_semaphore, #tpu.memory_space<semaphore_mem>>)
      %dma_wait3A_133 = arith.constant 0 : i32
      %dma_wait3A_134 = arith.constant 0 : i32
      %dma_wait3A_135 = tpu.memref_slice %arg6[%run_scoped3A_89, %dma_wait3A_133, %dma_wait3A_134] : memref<4x128x32xf32, #tpu.memory_space<vmem>> -> memref<1x128x32xf32, #tpu.memory_space<vmem>>
      %dma_wait3A_136 = tpu.memref_squeeze %dma_wait3A_135 : memref<1x128x32xf32, #tpu.memory_space<vmem>> -> memref<128x32xf32, #tpu.memory_space<vmem>>
      %dma_wait3A_137 = arith.constant 0 : i32
      %dma_wait3A_138 = tpu.memref_slice %arg4[%add3A_88, %dma_wait3A_137] : memref<16384x32xf32, #tpu.memory_space<hbm>> -> memref<128x32xf32, #tpu.memory_space<hbm>>
      %dma_wait3A_139 = arith.constant 0 : i32
      %dma_wait3A_140 = tpu.memref_slice %arg4[%add3A_88, %dma_wait3A_139] : memref<16384x32xf32, #tpu.memory_space<hbm>> -> memref<128x32xf32, #tpu.memory_space<hbm>>
      %dma_wait3A_141 = arith.constant 0 : i32
      %dma_wait3A_142 = arith.constant 0 : i32
      %dma_wait3A_143 = tpu.memref_slice %arg6[%run_scoped3A_89, %dma_wait3A_141, %dma_wait3A_142] : memref<4x128x32xf32, #tpu.memory_space<vmem>> -> memref<1x128x32xf32, #tpu.memory_space<vmem>>
      %dma_wait3A_144 = tpu.memref_squeeze %dma_wait3A_143 : memref<1x128x32xf32, #tpu.memory_space<vmem>> -> memref<128x32xf32, #tpu.memory_space<vmem>>
      tpu.wait_dma2 semaphore(%run_scoped3A_120 : memref<!tpu.dma_semaphore, #tpu.memory_space<semaphore_mem>>) src(%dma_wait3A_144 : memref<128x32xf32, #tpu.memory_space<vmem>>) dst(%dma_wait3A_140 : memref<128x32xf32, #tpu.memory_space<hbm>>)
      tpu.yield
    }) : () -> ()
    %dma_wait3A_90 = arith.constant 2 : i32
    %dma_wait3A_91 = arith.constant 2 : i32
    %dma_wait3A_92 = arith.constant 0 : i32
    %dma_wait3A_93 = arith.constant 0 : i32
    %dma_wait3A_94 = tpu.memref_slice %arg6[%dma_wait3A_91, %dma_wait3A_92, %dma_wait3A_93] : memref<4x128x32xf32, #tpu.memory_space<vmem>> -> memref<1x128x32xf32, #tpu.memory_space<vmem>>
    %dma_wait3A_95 = tpu.memref_squeeze %dma_wait3A_94 : memref<1x128x32xf32, #tpu.memory_space<vmem>> -> memref<128x32xf32, #tpu.memory_space<vmem>>
    %dma_wait3A_96 = arith.constant 0 : i32
    %dma_wait3A_97 = tpu.memref_slice %arg5[%dma_wait3A_90, %dma_wait3A_96] : memref<4x128xi32, #tpu.memory_space<vmem>> -> memref<1x128xi32, #tpu.memory_space<vmem>>
    %dma_wait3A_98 = tpu.memref_squeeze %dma_wait3A_97 : memref<1x128xi32, #tpu.memory_space<vmem>> -> memref<128xi32, #tpu.memory_space<vmem>>
    %dma_wait3A_99 = arith.constant 0 : i32
    %dma_wait3A_100 = arith.constant 0 : i32
    %dma_wait3A_101 = tpu.memref_slice %arg2[%dma_wait3A_99, %dma_wait3A_100] : memref<8192x32xf32, #tpu.memory_space<hbm>> -> memref<8192x32xf32, #tpu.memory_space<hbm>>
    tpu.wait_indirect_dma semaphore(%arg7 : memref<!tpu.dma_semaphore, #tpu.memory_space<semaphore_mem>>) src(%dma_wait3A_101 : memref<8192x32xf32, #tpu.memory_space<hbm>>) dst(%dma_wait3A_95 : memref<128x32xf32, #tpu.memory_space<vmem>>)
    %add3A_102 = arith.constant 256 : i32
    %add3A_103 = arith.addi %mul3A_2, %add3A_102 : i32
    %run_scoped3A_104 = arith.constant 2 : i32
    "tpu.region"() ({
      %run_scoped3A_120 = tpu.sem_alloc : memref<!tpu.dma_semaphore, #tpu.memory_space<semaphore_mem>>
      %dma_start3A_121 = arith.constant 0 : i32
      %dma_start3A_122 = arith.constant 0 : i32
      %dma_start3A_123 = tpu.memref_slice %arg6[%run_scoped3A_104, %dma_start3A_121, %dma_start3A_122] : memref<4x128x32xf32, #tpu.memory_space<vmem>> -> memref<1x128x32xf32, #tpu.memory_space<vmem>>
      %dma_start3A_124 = tpu.memref_squeeze %dma_start3A_123 : memref<1x128x32xf32, #tpu.memory_space<vmem>> -> memref<128x32xf32, #tpu.memory_space<vmem>>
      %dma_start3A_125 = arith.constant 0 : i32
      %dma_start3A_126 = tpu.memref_slice %arg4[%add3A_103, %dma_start3A_125] : memref<16384x32xf32, #tpu.memory_space<hbm>> -> memref<128x32xf32, #tpu.memory_space<hbm>>
      %dma_start3A_127 = arith.constant 0 : i32
      %dma_start3A_128 = tpu.memref_slice %arg4[%add3A_103, %dma_start3A_127] : memref<16384x32xf32, #tpu.memory_space<hbm>> -> memref<128x32xf32, #tpu.memory_space<hbm>>
      %dma_start3A_129 = arith.constant 0 : i32
      %dma_start3A_130 = arith.constant 0 : i32
      %dma_start3A_131 = tpu.memref_slice %arg6[%run_scoped3A_104, %dma_start3A_129, %dma_start3A_130] : memref<4x128x32xf32, #tpu.memory_space<vmem>> -> memref<1x128x32xf32, #tpu.memory_space<vmem>>
      %dma_start3A_132 = tpu.memref_squeeze %dma_start3A_131 : memref<1x128x32xf32, #tpu.memory_space<vmem>> -> memref<128x32xf32, #tpu.memory_space<vmem>>
      tpu.enqueue_dma source(%dma_start3A_132 : memref<128x32xf32, #tpu.memory_space<vmem>>) target(%dma_start3A_128 : memref<128x32xf32, #tpu.memory_space<hbm>>) target_semaphore(%run_scoped3A_120 : memref<!tpu.dma_semaphore, #tpu.memory_space<semaphore_mem>>)
      %dma_wait3A_133 = arith.constant 0 : i32
      %dma_wait3A_134 = arith.constant 0 : i32
      %dma_wait3A_135 = tpu.memref_slice %arg6[%run_scoped3A_104, %dma_wait3A_133, %dma_wait3A_134] : memref<4x128x32xf32, #tpu.memory_space<vmem>> -> memref<1x128x32xf32, #tpu.memory_space<vmem>>
      %dma_wait3A_136 = tpu.memref_squeeze %dma_wait3A_135 : memref<1x128x32xf32, #tpu.memory_space<vmem>> -> memref<128x32xf32, #tpu.memory_space<vmem>>
      %dma_wait3A_137 = arith.constant 0 : i32
      %dma_wait3A_138 = tpu.memref_slice %arg4[%add3A_103, %dma_wait3A_137] : memref<16384x32xf32, #tpu.memory_space<hbm>> -> memref<128x32xf32, #tpu.memory_space<hbm>>
      %dma_wait3A_139 = arith.constant 0 : i32
      %dma_wait3A_140 = tpu.memref_slice %arg4[%add3A_103, %dma_wait3A_139] : memref<16384x32xf32, #tpu.memory_space<hbm>> -> memref<128x32xf32, #tpu.memory_space<hbm>>
      %dma_wait3A_141 = arith.constant 0 : i32
      %dma_wait3A_142 = arith.constant 0 : i32
      %dma_wait3A_143 = tpu.memref_slice %arg6[%run_scoped3A_104, %dma_wait3A_141, %dma_wait3A_142] : memref<4x128x32xf32, #tpu.memory_space<vmem>> -> memref<1x128x32xf32, #tpu.memory_space<vmem>>
      %dma_wait3A_144 = tpu.memref_squeeze %dma_wait3A_143 : memref<1x128x32xf32, #tpu.memory_space<vmem>> -> memref<128x32xf32, #tpu.memory_space<vmem>>
      tpu.wait_dma2 semaphore(%run_scoped3A_120 : memref<!tpu.dma_semaphore, #tpu.memory_space<semaphore_mem>>) src(%dma_wait3A_144 : memref<128x32xf32, #tpu.memory_space<vmem>>) dst(%dma_wait3A_140 : memref<128x32xf32, #tpu.memory_space<hbm>>)
      tpu.yield
    }) : () -> ()
    %dma_wait3A_105 = arith.constant 3 : i32
    %dma_wait3A_106 = arith.constant 3 : i32
    %dma_wait3A_107 = arith.constant 0 : i32
    %dma_wait3A_108 = arith.constant 0 : i32
    %dma_wait3A_109 = tpu.memref_slice %arg6[%dma_wait3A_106, %dma_wait3A_107, %dma_wait3A_108] : memref<4x128x32xf32, #tpu.memory_space<vmem>> -> memref<1x128x32xf32, #tpu.memory_space<vmem>>
    %dma_wait3A_110 = tpu.memref_squeeze %dma_wait3A_109 : memref<1x128x32xf32, #tpu.memory_space<vmem>> -> memref<128x32xf32, #tpu.memory_space<vmem>>
    %dma_wait3A_111 = arith.constant 0 : i32
    %dma_wait3A_112 = tpu.memref_slice %arg5[%dma_wait3A_105, %dma_wait3A_111] : memref<4x128xi32, #tpu.memory_space<vmem>> -> memref<1x128xi32, #tpu.memory_space<vmem>>
    %dma_wait3A_113 = tpu.memref_squeeze %dma_wait3A_112 : memref<1x128xi32, #tpu.memory_space<vmem>> -> memref<128xi32, #tpu.memory_space<vmem>>
    %dma_wait3A_114 = arith.constant 0 : i32
    %dma_wait3A_115 = arith.constant 0 : i32
    %dma_wait3A_116 = tpu.memref_slice %arg2[%dma_wait3A_114, %dma_wait3A_115] : memref<8192x32xf32, #tpu.memory_space<hbm>> -> memref<8192x32xf32, #tpu.memory_space<hbm>>
    tpu.wait_indirect_dma semaphore(%arg7 : memref<!tpu.dma_semaphore, #tpu.memory_space<semaphore_mem>>) src(%dma_wait3A_116 : memref<8192x32xf32, #tpu.memory_space<hbm>>) dst(%dma_wait3A_110 : memref<128x32xf32, #tpu.memory_space<vmem>>)
    %add3A_117 = arith.constant 384 : i32
    %add3A_118 = arith.addi %mul3A_2, %add3A_117 : i32
    %run_scoped3A_119 = arith.constant 3 : i32
    "tpu.region"() ({
      %run_scoped3A_120 = tpu.sem_alloc : memref<!tpu.dma_semaphore, #tpu.memory_space<semaphore_mem>>
      %dma_start3A_121 = arith.constant 0 : i32
      %dma_start3A_122 = arith.constant 0 : i32
      %dma_start3A_123 = tpu.memref_slice %arg6[%run_scoped3A_119, %dma_start3A_121, %dma_start3A_122] : memref<4x128x32xf32, #tpu.memory_space<vmem>> -> memref<1x128x32xf32, #tpu.memory_space<vmem>>
      %dma_start3A_124 = tpu.memref_squeeze %dma_start3A_123 : memref<1x128x32xf32, #tpu.memory_space<vmem>> -> memref<128x32xf32, #tpu.memory_space<vmem>>
      %dma_start3A_125 = arith.constant 0 : i32
      %dma_start3A_126 = tpu.memref_slice %arg4[%add3A_118, %dma_start3A_125] : memref<16384x32xf32, #tpu.memory_space<hbm>> -> memref<128x32xf32, #tpu.memory_space<hbm>>
      %dma_start3A_127 = arith.constant 0 : i32
      %dma_start3A_128 = tpu.memref_slice %arg4[%add3A_118, %dma_start3A_127] : memref<16384x32xf32, #tpu.memory_space<hbm>> -> memref<128x32xf32, #tpu.memory_space<hbm>>
      %dma_start3A_129 = arith.constant 0 : i32
      %dma_start3A_130 = arith.constant 0 : i32
      %dma_start3A_131 = tpu.memref_slice %arg6[%run_scoped3A_119, %dma_start3A_129, %dma_start3A_130] : memref<4x128x32xf32, #tpu.memory_space<vmem>> -> memref<1x128x32xf32, #tpu.memory_space<vmem>>
      %dma_start3A_132 = tpu.memref_squeeze %dma_start3A_131 : memref<1x128x32xf32, #tpu.memory_space<vmem>> -> memref<128x32xf32, #tpu.memory_space<vmem>>
      tpu.enqueue_dma source(%dma_start3A_132 : memref<128x32xf32, #tpu.memory_space<vmem>>) target(%dma_start3A_128 : memref<128x32xf32, #tpu.memory_space<hbm>>) target_semaphore(%run_scoped3A_120 : memref<!tpu.dma_semaphore, #tpu.memory_space<semaphore_mem>>)
      %dma_wait3A_133 = arith.constant 0 : i32
      %dma_wait3A_134 = arith.constant 0 : i32
      %dma_wait3A_135 = tpu.memref_slice %arg6[%run_scoped3A_119, %dma_wait3A_133, %dma_wait3A_134] : memref<4x128x32xf32, #tpu.memory_space<vmem>> -> memref<1x128x32xf32, #tpu.memory_space<vmem>>
      %dma_wait3A_136 = tpu.memref_squeeze %dma_wait3A_135 : memref<1x128x32xf32, #tpu.memory_space<vmem>> -> memref<128x32xf32, #tpu.memory_space<vmem>>
      %dma_wait3A_137 = arith.constant 0 : i32
      %dma_wait3A_138 = tpu.memref_slice %arg4[%add3A_118, %dma_wait3A_137] : memref<16384x32xf32, #tpu.memory_space<hbm>> -> memref<128x32xf32, #tpu.memory_space<hbm>>
      %dma_wait3A_139 = arith.constant 0 : i32
      %dma_wait3A_140 = tpu.memref_slice %arg4[%add3A_118, %dma_wait3A_139] : memref<16384x32xf32, #tpu.memory_space<hbm>> -> memref<128x32xf32, #tpu.memory_space<hbm>>
      %dma_wait3A_141 = arith.constant 0 : i32
      %dma_wait3A_142 = arith.constant 0 : i32
      %dma_wait3A_143 = tpu.memref_slice %arg6[%run_scoped3A_119, %dma_wait3A_141, %dma_wait3A_142] : memref<4x128x32xf32, #tpu.memory_space<vmem>> -> memref<1x128x32xf32, #tpu.memory_space<vmem>>
      %dma_wait3A_144 = tpu.memref_squeeze %dma_wait3A_143 : memref<1x128x32xf32, #tpu.memory_space<vmem>> -> memref<128x32xf32, #tpu.memory_space<vmem>>
      tpu.wait_dma2 semaphore(%run_scoped3A_120 : memref<!tpu.dma_semaphore, #tpu.memory_space<semaphore_mem>>) src(%dma_wait3A_144 : memref<128x32xf32, #tpu.memory_space<vmem>>) dst(%dma_wait3A_140 : memref<128x32xf32, #tpu.memory_space<hbm>>)
      tpu.yield
    }) : () -> ()
    return
  }
}

</mosaic_0001>

<sc_bundles>
// kernel: kernel.3.cloned.1.call-start
scs
__scs_entry_jumppad:
0x0: {  	(pc) =	sbr.rel $0x88, $3  }
0x1: {  	(tag) =	ssettag $0x0;
	lr =	simm.s32 $0x1  }
0x2: {  	[smem:$0x3F9F] =	sst lr;
	_ =	strace $0xD0000000  }
0x3: {  	_ = 	snop  }
0x4: {  	_ = 	snop  }
0x5: {  	_ = 	snop  }
0x6: {  	_ = 	snop  }
0x7: {  	_ = 	snop  }
__scs_overlays_trampoline_lowered:
0x8: {  	[smem:$0x3FAE] =	sst s0  }
0x9: {  	[smem:$0x3FAF] =	sst s1  }
0xa: {  	[smem:$0x3FB0] =	sst s2  }
0xb: {  	[smem:$0x3FB1] =	sst s3  }
0xc: {  	[smem:$0x3FB2] =	sst s4  }
0xd: {  	[smem:$0x3FB3] =	sst s5  }
0xe: {  	[smem:$0x3FB4] =	sst s6  }
0xf: {  	[smem:$0x3FB5] =	sst s7  }
0x10: {  	[smem:$0x3FB6] =	sst s8  }
0x11: {  	[smem:$0x3FB7] =	sst s9;
	s0 =	simm.s32 @!p0 $0x0  }
0x12: {  	s1 =	sld [smem:$0x3F9D];
	s0 =	simm.s32 @p0 $0x1  }
0x13: {  	[smem:$0x3FB8] =	sst s0;
	s0 =	simm.s32 @!p1 $0x0  }
0x14: {  	s2 =	sld [smem:$0x3F9C];
	s0 =	simm.s32 @p1 $0x1  }
0x15: {  	[smem:$0x3FB9] =	sst s0;
	s0 =	simm.s32 @!p2 $0x0  }
0x16: {  	s3 =	sld [smem:$0x3FDB];
	s0 =	simm.s32 @p2 $0x1  }
0x17: {  	s4 =	simm.s32 $0x1BF5;
	[smem:$0x3FBB] =	sst s0  }
0x18: {  	s0 =	sld [smem:$0x3F9E];
	_ =	swait.ge [sflag:s4], $0x0  }
0x19: {  	s7 =	sld [smem:$0x3F9F]  }
0x1a: {  	s8 =	sadd.s32 $0xFFFFE003, lr  }
0x1b: {  	s9 =	sadd.s32 $0xFFFFFEF7, lr;
	s5 =	simm.s32 $0xFFFFFFFF;
	p2 =	slt.u32 s8, $0xFFFFF086  }
0x1c: {  	p1 =	slt.u32 s9, $0xF7A;
	s5 =	simm.s32 @!p2 $0x0  }
0x1d: {  	s5 =	simm.s32 @p1 $0x1;
	p0 =	seq.s32 s7, s2  }
0x1e: {  	s7 =	smul.u32 @!p0 $0xF7A, s2;
	p2 =	seq.s32 @!p0 s5, $0x0  }
0x1f: {  	s9 =	smul.u32 $0xF7A, s1;
	s8 =	simm.s32 @!p0 $0x1BF5;
	p2 =	por !p2, p0  }
0x20: {  	[sflag:s8] =	ssyncset.s32 @!p0 $0xFFFFF086;
	s6 =	sadd.s32 @!p0 s3, s7;
	s7 =	simm.s32 @!p0 $0x108  }
0x21: {  	s3 =	sadd.s32 s3, s9;
	s6 =	sadd.s32 @!p0 $0x88, s6;
	s7 =	simm.s32 @p2 $0x1082  }
0x22: {  	[simem:s7], [sflag:s8] =	dma.local @!p0 [hbm:s6], $0xF7A  }
0x23: {  	s9 =	sor.u32 $0xD0000000, s2;
	s6 =	simm.s32 $0x108;
	_ =	swait.ge @!p0 [sflag:s8], $0x0  }
0x24: {  	s3 =	sadd.s32 $0x88, s3;
	s6 =	simm.s32 @!p1 $0x1082;
	[sflag:s4] =	ssyncset.s32 $0xFFFFF086  }
0x25: {  	[simem:s6], [sflag:s4] =	dma.local [hbm:s3], $0xF7A  }
0x26: {  	[smem:$0x3F9F] =	sst s1;
	(tag) =	ssettag s2;
	_ =	strace s9  }
0x27: {  	s1 =	sld [smem:$0x3FAF]  }
0x28: {  	s2 =	sld [smem:$0x3FB0]  }
0x29: {  	s4 =	sld [smem:$0x3FB2]  }
0x2a: {  	p0 =	seq.s32 s5, $0x0;
	s5 =	sld [smem:$0x3FB3]  }
0x2b: {  	s6 =	sld [smem:$0x3FB4]  }
0x2c: {  	s7 =	sld [smem:$0x3FB5]  }
0x2d: {  	s3 =	simm.s32 $0x108;
	s8 =	sld [smem:$0x3FB6]  }
0x2e: {  	s3 =	simm.s32 @!p0 $0x1082;
	s9 =	sld [smem:$0x3FB7]  }
0x2f: {  	lr =	sadd.s32 s0, s3;
	s0 =	sld [smem:$0x3FAE]  }
0x30: {  	s3 =	sld [smem:$0x3FB1]  }
0x31: {  	[smem:$0x3FBA] =	sst s10  }
0x32: {  	s10 =	sld [smem:$0x3FB8];
	_ =	sdelay $0x3  }
0x33: {  	p0 =	seq.s32 s10, $0x1;
	s10 =	sld [smem:$0x3FBA];
	_ =	sdelay $0x3  }
0x34: {  	[smem:$0x3FBA] =	sst s10  }
0x35: {  	s10 =	sld [smem:$0x3FB9];
	_ =	sdelay $0x3  }
0x36: {  	p1 =	seq.s32 s10, $0x1;
	s10 =	sld [smem:$0x3FBA];
	_ =	sdelay $0x3  }
0x37: {  	[smem:$0x3FBA] =	sst s10  }
0x38: {  	s10 =	sld [smem:$0x3FBB]  }
0x39: {  	_ = 	snop;
	(pc) =	sbr.ind lr, $3  }
0x3a: {  	_ = 	snop  }
0x3b: {  	_ = 	snop  }
0x3c: {  	p2 =	seq.s32 s10, $0x1;
	s10 =	sld [smem:$0x3FBA]  }
0x3d: {  	_ =	shalt  }
0x3e: {  	_ =	shalt  }
0x3f: {  	_ =	shalt  }
0x40: {  	_ =	shalt  }
0x41: {  	_ =	shalt  }
0x42: {  	_ =	shalt  }
0x43: {  	_ =	shalt  }
0x44: {  	_ =	shalt  }
0x45: {  	_ =	shalt  }
0x46: {  	_ =	shalt  }
0x47: {  	_ =	shalt  }
0x48: {  	_ =	shalt  }
0x49: {  	_ =	shalt  }
0x4a: {  	_ =	shalt  }
0x4b: {  	_ =	shalt  }
0x4c: {  	_ =	shalt  }
0x4d: {  	_ =	shalt  }
0x4e: {  	_ =	shalt  }
0x4f: {  	_ =	shalt  }
0x50: {  	_ =	shalt  }
0x51: {  	_ =	shalt  }
0x52: {  	_ =	shalt  }
0x53: {  	_ =	shalt  }
0x54: {  	_ =	shalt  }
0x55: {  	_ =	shalt  }
0x56: {  	_ =	shalt  }
0x57: {  	_ =	shalt  }
0x58: {  	_ =	shalt  }
0x59: {  	_ =	shalt  }
0x5a: {  	_ =	shalt  }
0x5b: {  	_ =	shalt  }
0x5c: {  	_ =	shalt  }
0x5d: {  	_ =	shalt  }
0x5e: {  	_ =	shalt  }
0x5f: {  	_ =	shalt  }
0x60: {  	_ =	shalt  }
0x61: {  	_ =	shalt  }
0x62: {  	_ =	shalt  }
0x63: {  	_ =	shalt  }
0x64: {  	_ =	shalt  }
0x65: {  	_ =	shalt  }
0x66: {  	_ =	shalt  }
0x67: {  	_ =	shalt  }
0x68: {  	_ =	shalt  }
0x69: {  	_ =	shalt  }
0x6a: {  	_ =	shalt  }
0x6b: {  	_ =	shalt  }
0x6c: {  	_ =	shalt  }
0x6d: {  	_ =	shalt  }
0x6e: {  	_ =	shalt  }
0x6f: {  	_ =	shalt  }
0x70: {  	_ =	shalt  }
0x71: {  	_ =	shalt  }
0x72: {  	_ =	shalt  }
0x73: {  	_ =	shalt  }
0x74: {  	_ =	shalt  }
0x75: {  	_ =	shalt  }
0x76: {  	_ =	shalt  }
0x77: {  	_ =	shalt  }
0x78: {  	_ =	shalt  }
0x79: {  	_ =	shalt  }
0x7a: {  	_ =	shalt  }
0x7b: {  	_ =	shalt  }
0x7c: {  	_ =	shalt  }
0x7d: {  	_ =	shalt  }
0x7e: {  	_ =	shalt  }
0x7f: {  	_ =	shalt  }
0x80: {  	_ =	shalt  }
0x81: {  	_ =	shalt  }
0x82: {  	_ =	shalt  }
0x83: {  	_ =	shalt  }
0x84: {  	_ =	shalt  }
0x85: {  	_ =	shalt  }
0x86: {  	_ =	shalt  }
0x87: {  	_ =	shalt  }
.Lfunc_end0:
.L_simem_size_0:
called_computation_lowered:
.L_overlay_start_0:
0x88: {  	s2 =	sld [smem:$0x3FD9]  }
0x89: {  	s3 =	sld [smem:$0x3FFE];
	_ =	sdelay $0x1  }
0x8a: {  	s1 =	srdreg.scid  }
0x8b: {  	s0 =	sand.u32 $0x1, s1  }
0x8c: {  	s14 =	sshll.u32 s0, $0xA;
	s2 =	sadd.s32 s3, s2  }
0x8d: {  	s2 =	sadd.s32 s2, s14  }
0x8e: {  	[smem:$0x3FC6] =	sst s2  }
0x8f: {  	_ = 	snop  }
0x90: {  	s2 =	sld [smem:$0x3FD0];
	_ =	sdelay $0x2  }
0x91: {  	s15 =	simm.s32 $0xA;
	s4 =	simm.s32 $0x10  }
0x92: {  	[smem:s4], [sflag:s15] =	dma.local [hbm:s2], $0x1  }
0x93: {  	_ =	swait.eq [sflag:s15], $0x1  }
0x94: {  	[sflag:s15] =	ssyncset.done $0x0  }
0x95: {  	[sflag:s15] =	ssyncadd.s32 $0xFFFFFFFF  }
0x96: {  	s16 =	sld [smem:$0x10];
	(tm) =	ssettm $0x1  }
0x97: {  	s17 =	sld [smem:$0x3FFB];
	_ =	sdelay $0x3  }
0x98: {  	_ =	strace s17  }
0x99: {  	s3 =	sld [smem:$0x3FFC];
	_ =	sdelay $0x3  }
0x9a: {  	_ =	strace s3  }
0x9b: {  	s3 =	sld [smem:$0x3FFD];
	_ =	sdelay $0x3  }
0x9c: {  	_ =	strace s3  }
0x9d: {  	_ =	strace $0x8FFFFFFF  }
0x9e: {  	s18 =	sld [smem:$0x3FDB];
	_ =	sdelay $0x1  }
0x9f: {  	s19 =	simm.s32 $_scs_section_size  }
0xa0: {  	s5 =	simm.s32 $_size__tile_overlayer_lowered;
	s6 =	simm.s32 $_tile_overlayer_lowered  }
0xa1: {  	s22 =	simm.s32 $0x1BFF;
	s21 =	sshll.u32 s6, $0x1;
	s3 =	sadd.s32 s19, s18  }
0xa2: {  	s7 =	simm.s32 $0x0;
	s20 =	sshll.u32 s5, $0x1;
	s5 =	sadd.s32 s21, s3  }
0xa3: {  	[timem:s7], [sflag:s22] =	dma.local [hbm:s5], s20  }
0xa4: {  	_ =	swait.ge [sflag:s22], s20  }
0xa5: {  	s4 =	ssub.s32 $0x0, s20;
	[sflag:s22] =	ssyncset.done $0x0  }
0xa6: {  	[sflag:s22] =	ssyncadd.s32 s4;
	_ =	sdelay $0x1  }
0xa7: {  	s23 =	simm.s32 $0x1B8B  }
0xa8: {  	_ =	swait.ge [sflag:s23], $0x1  }
0xa9: {  	[sflag:s23] =	ssyncset.done $0x0  }
0xaa: {  	s25 =	simm.s32 $0x1B8E;
	s24 =	sld [smem:$0x3FFE];
	[sflag:s23] =	ssyncadd.s32 $0xFFFFFFFF  }
0xab: {  	s26 =	simm.s32 $execute0_lowered;
	[smem:$0x3FD2] =	sst s25  }
0xac: {  	s5 =	sshll.u32 s26, $0x1;
	_ =	strace $0x80000046;
	[dreg:$0x1] =	wrdreg $0xFFFFFFFF  }
0xad: {  	s28 =	simm.s32 $_size_execute0_lowered;
	s3 =	sadd.s32 s3, s5;
	[dreg:$0x0] =	wrdreg $0x0  }
0xae: {  	s5 =	sshll.u32 s28, $0x1;
	[dreg:$0x2] =	wrdreg s3  }
0xaf: {  	[dreg:$0x3] =	wrdreg s5  }
0xb0: {  	[dreg:$0x4] =	wrdreg $0xC0  }
0xb1: {  	_ =	task [dreg:s7], $0x5FFFF  }
0xb2: {  	[dreg:$0x1] =	wrdreg $0xFFFFFFFF  }
0xb3: {  	[dreg:$0x0] =	wrdreg $0x60  }
0xb4: {  	[dreg:$0x2] =	wrdreg s24  }
0xb5: {  	[dreg:$0x3] =	wrdreg s16  }
0xb6: {  	[dreg:$0x4] =	wrdreg $0x9  }
0xb7: {  	_ =	task.clear_ibuf [dreg:s7], $0x5FFFF;
	_ =	strace $0x90000046  }
0xb8: {  	s29 =	simm.s32 $0x9;
	_ =	strace $0x80000048  }
0xb9: {  	_ =	swait.ge [sflag:s29], $0x1  }
0xba: {  	[sflag:s29] =	ssyncadd.s32 $0xFFFFFFFF  }
0xbb: {  	_ =	strace $0x90000048  }
0xbc: {  	_ =	sfence  }
0xbd: {  	s30 =	sld [smem:$0x0];
	_ =	sdelay $0x2  }
0xbe: {  	s31 =	sshll.u32 s1, $0xD;
	s1 =	sshrl.u32 s1, $0x2  }
0xbf: {  	s3 =	sand.u32 $0x4000, s31;
	s1 =	sadd.s32 s1, s30  }
0xc0: {  	s0 =	sor.u32 s3, s0;
	s1 =	sshll.u32 s1, $0x11  }
0xc1: {  	s0 =	sor.u32 s1, s0  }
0xc2: {  	s0 =	sadd.s32 $0x8F2B, s0  }
0xc3: {  	[sflag:s0] =	ssyncadd.remote.s32 $0x1  }
0xc4: {  	_ =	sfence.sel $0xFFFF  }
0xc5: {  	[dreg:$0x0] =	wrdreg $0xFFFFFFFF;
	(pc) =	sbr.abs _section_cstart, $3  }
0xc6: {  	[dreg:$0x1] =	wrdreg $0xFFFFFFFF  }
0xc7: {  	_ =	task.clear_ibuf [dreg:s7], $0x2FFFF;
	_ =	strace $0x9FFFFFFF  }
0xc8: {  	(tm) =	ssettm $0x7FFFFFFF  }
0xc9: {  	_ =	shalt  }
tec
execute0_lowered:
.L_overlay_start_1:
0x0: {  	(tag) =	ssettag $0x1  }
0x1: {  	s1 =	srdreg.scid  }
0x2: {  	s2 =	rddreg [dreg:$0x0];
	s0 =	stileid.u32;
	s21 =	sand.u32 $0x1, s1  }
0x3: {  	s20 =	rddreg [dreg:$0x1];
	s4 =	sshll.u32 s0, $0xA;
	s5 =	sshll.u32 s21, $0x9  }
0x4: {  	s3 =	simm.s32 $0x0;
	s1 =	rddreg [dreg:$0x2];
	s17 =	sor.u32 s5, s4  }
0x5: {  	[smem:$0x7FF] =	sst s3;
	s13 =	sadd.s32 $0x8000, s2;
	s4 =	sshrl.u32 s17, $0x3  }
0x6: {  	_ =	strace $0x80000047;
	s5 =	sadd.s32 s13, s4;
	s4 =	simm.s32 $0x2  }
0x7: {  	[tilespmem:s3], [sflag:$0x2] =	stream.linear.gather [hbm4b:s5+s3], $0x80, $0x38;
	[tilespmem:$0x4200] =	vst v63  }
0x8: {  	_ =	swait.ge [sflag:s4], $0x80  }
0x9: {  	s6 =	simm.s32 $0x80;
	s18 =	sor.u32 $0x80, s17;
	[sflag:s4] =	ssyncset.done $0x0  }
0xa: {  	s7 =	simm.s32 $0x200;
	s8 =	sshrl.u32 s18, $0x3;
	[sflag:s4] =	ssyncadd.s32 $0xFFFFFF80  }
0xb: {  	[tilespmem:s7], [sflag:$0x1] =	stream.indirect.gather [hbm4b:s2+s6], $0x20, s3, s6, $0xb8;
	[tilespmem:$0x4200] =	vst v63  }
0xc: {  	s8 =	sadd.s32 s13, s8  }
0xd: {  	[tilespmem:s6], [sflag:$0x2] =	stream.linear.gather [hbm4b:s8+s3], $0x80, $0x38;
	[tilespmem:$0x4200] =	vst v63  }
0xe: {  	_ =	swait.ge [sflag:s4], $0x80  }
0xf: {  	s19 =	sor.u32 $0x100, s17;
	[sflag:s4] =	ssyncset.done $0x0  }
0x10: {  	s9 =	simm.s32 $0x1200;
	s10 =	sshrl.u32 s19, $0x3;
	[sflag:s4] =	ssyncadd.s32 $0xFFFFFF80  }
0x11: {  	[tilespmem:s9], [sflag:$0x1] =	stream.indirect.gather [hbm4b:s2+s6], $0x20, s6, s6, $0xb8;
	[tilespmem:$0x4200] =	vst v63  }
0x12: {  	s11 =	simm.s32 $0x100;
	s10 =	sadd.s32 s13, s10  }
0x13: {  	[tilespmem:s11], [sflag:$0x2] =	stream.linear.gather [hbm4b:s10+s3], $0x80, $0x38;
	[tilespmem:$0x4200] =	vst v63  }
0x14: {  	_ =	swait.ge [sflag:s4], $0x80  }
0x15: {  	s22 =	sor.u32 $0x180, s17;
	[sflag:s4] =	ssyncset.done $0x0  }
0x16: {  	s12 =	simm.s32 $0x2200;
	s14 =	sshrl.u32 s22, $0x3;
	[sflag:s4] =	ssyncadd.s32 $0xFFFFFF80  }
0x17: {  	[tilespmem:s12], [sflag:$0x1] =	stream.indirect.gather [hbm4b:s2+s6], $0x20, s11, s6, $0xb8;
	[tilespmem:$0x4200] =	vst v63  }
0x18: {  	s13 =	sadd.s32 s13, s14;
	s14 =	simm.s32 $0x180  }
0x19: {  	[tilespmem:s14], [sflag:$0x2] =	stream.linear.gather [hbm4b:s13+s3], $0x80, $0x38;
	[tilespmem:$0x4200] =	vst v63  }
0x1a: {  	_ =	swait.ge [sflag:s4], $0x80  }
0x1b: {  	[sflag:s4] =	ssyncset.done $0x0  }
0x1c: {  	s15 =	simm.s32 $0x3200;
	s16 =	simm.s32 $0x1;
	[sflag:s4] =	ssyncadd.s32 $0xFFFFFF80  }
0x1d: {  	[tilespmem:s15], [sflag:$0x1] =	stream.indirect.gather [hbm4b:s2+s6], $0x20, s14, s6, $0xb8;
	[tilespmem:$0x4200] =	vst v63  }
0x1e: {  	_ =	swait.ge [sflag:s16], $0x1000  }
0x1f: {  	s17 =	sshll.u32 s17, $0x2;
	[sflag:s16] =	ssyncset.done $0x0  }
0x20: {  	s17 =	sadd.s32 s20, s17;
	[sflag:s16] =	ssyncadd.s32 $0xFFFFF000  }
0x21: {  	[hbm4b:s17+s3] =	stream.linear.scatter [tilespmem:s7], [sflag:$0x2], $0x1000, $0x38;
	[tilespmem:$0x4200] =	vst v63  }
0x22: {  	_ =	swait.ge [sflag:s4], $0x1000  }
0x23: {  	[sflag:s4] =	ssyncset.done $0x0  }
0x24: {  	[sflag:s4] =	ssyncadd.s32 $0xFFFFF000  }
0x25: {  	_ =	swait.ge [sflag:s16], $0x1000  }
0x26: {  	s18 =	sshll.u32 s18, $0x2;
	[sflag:s16] =	ssyncset.done $0x0  }
0x27: {  	s18 =	sadd.s32 s20, s18;
	[sflag:s16] =	ssyncadd.s32 $0xFFFFF000  }
0x28: {  	[hbm4b:s18+s3] =	stream.linear.scatter [tilespmem:s9], [sflag:$0x2], $0x1000, $0x38;
	[tilespmem:$0x4200] =	vst v63  }
0x29: {  	_ =	swait.ge [sflag:s4], $0x1000  }
0x2a: {  	[sflag:s4] =	ssyncset.done $0x0  }
0x2b: {  	[sflag:s4] =	ssyncadd.s32 $0xFFFFF000  }
0x2c: {  	_ =	swait.ge [sflag:s16], $0x1000  }
0x2d: {  	s19 =	sshll.u32 s19, $0x2;
	[sflag:s16] =	ssyncset.done $0x0  }
0x2e: {  	s21 =	ssub.s32 $0x2, s21;
	s19 =	sadd.s32 s20, s19;
	[sflag:s16] =	ssyncadd.s32 $0xFFFFF000  }
0x2f: {  	[hbm4b:s19+s3] =	stream.linear.scatter [tilespmem:s12], [sflag:$0x2], $0x1000, $0x38;
	[tilespmem:$0x4200] =	vst v63  }
0x30: {  	s23 =	sshrl.u32 s21, $0x1;
	_ =	swait.ge [sflag:s4], $0x1000  }
0x31: {  	s21 =	ssub.s32 s21, s23;
	[sflag:s4] =	ssyncset.done $0x0  }
0x32: {  	s21 =	smax.u32 s21, $0x1;
	[sflag:s4] =	ssyncadd.s32 $0xFFFFF000  }
0x33: {  	p0 =	sne.s32 s21, $0x1;
	_ =	swait.ge [sflag:s16], $0x1000  }
.Ltmp0:
0x34: {  	s22 =	sshll.u32 s22, $0x2;
	[sflag:s16] =	ssyncset.done $0x0;
	(pc) =	sbr.rel @!p0 .LBB2_2-.Ltmp0, $4  }
0x35: {  	s20 =	sadd.s32 s20, s22;
	[sflag:s16] =	ssyncadd.s32 $0xFFFFF000  }
0x36: {  	[hbm4b:s20+s3] =	stream.linear.scatter [tilespmem:s15], [sflag:$0x2], $0x1000, $0x38;
	[tilespmem:$0x4200] =	vst v63  }
0x37: {  	_ =	swait.ge [sflag:s4], $0x1000  }
0x38: {  	s21 =	sadd.s32 $0xFFFFFFFF, s21;
	[sflag:s4] =	ssyncset.done $0x0  }
.LBB2_1:
0x39: {  	p0 =	sne.s32 s21, $0x1;
	s21 =	sadd.s32 $0xFFFFFFFF, s21;
	[sflag:s4] =	ssyncadd.s32 $0xFFFFF000  }
0x3a: {  	[tilespmem:s3], [sflag:$0x2] =	stream.linear.gather [hbm4b:s5+s3], $0x80, $0x38;
	[tilespmem:$0x4200] =	vst v63  }
0x3b: {  	_ =	swait.ge [sflag:s4], $0x80  }
0x3c: {  	[sflag:s4] =	ssyncset.done $0x0  }
0x3d: {  	[sflag:s4] =	ssyncadd.s32 $0xFFFFFF80  }
0x3e: {  	[tilespmem:s7], [sflag:$0x1] =	stream.indirect.gather [hbm4b:s2+s6], $0x20, s3, s6, $0xb8;
	[tilespmem:$0x4200] =	vst v63  }
0x3f: {  	_ = 	snop  }
0x40: {  	[tilespmem:s6], [sflag:$0x2] =	stream.linear.gather [hbm4b:s8+s3], $0x80, $0x38;
	[tilespmem:$0x4200] =	vst v63  }
0x41: {  	_ =	swait.ge [sflag:s4], $0x80  }
0x42: {  	[sflag:s4] =	ssyncset.done $0x0  }
0x43: {  	[sflag:s4] =	ssyncadd.s32 $0xFFFFFF80  }
0x44: {  	[tilespmem:s9], [sflag:$0x1] =	stream.indirect.gather [hbm4b:s2+s6], $0x20, s6, s6, $0xb8;
	[tilespmem:$0x4200] =	vst v63  }
0x45: {  	_ = 	snop  }
0x46: {  	[tilespmem:s11], [sflag:$0x2] =	stream.linear.gather [hbm4b:s10+s3], $0x80, $0x38;
	[tilespmem:$0x4200] =	vst v63  }
0x47: {  	_ =	swait.ge [sflag:s4], $0x80  }
0x48: {  	[sflag:s4] =	ssyncset.done $0x0  }
0x49: {  	[sflag:s4] =	ssyncadd.s32 $0xFFFFFF80  }
0x4a: {  	[tilespmem:s12], [sflag:$0x1] =	stream.indirect.gather [hbm4b:s2+s6], $0x20, s11, s6, $0xb8;
	[tilespmem:$0x4200] =	vst v63  }
0x4b: {  	_ = 	snop  }
0x4c: {  	[tilespmem:s14], [sflag:$0x2] =	stream.linear.gather [hbm4b:s13+s3], $0x80, $0x38;
	[tilespmem:$0x4200] =	vst v63  }
0x4d: {  	_ =	swait.ge [sflag:s4], $0x80  }
0x4e: {  	[sflag:s4] =	ssyncset.done $0x0  }
0x4f: {  	[sflag:s4] =	ssyncadd.s32 $0xFFFFFF80  }
0x50: {  	[tilespmem:s15], [sflag:$0x1] =	stream.indirect.gather [hbm4b:s2+s6], $0x20, s14, s6, $0xb8;
	[tilespmem:$0x4200] =	vst v63  }
0x51: {  	_ =	swait.ge [sflag:s16], $0x1000  }
0x52: {  	[sflag:s16] =	ssyncset.done $0x0  }
0x53: {  	[sflag:s16] =	ssyncadd.s32 $0xFFFFF000  }
0x54: {  	[hbm4b:s17+s3] =	stream.linear.scatter [tilespmem:s7], [sflag:$0x2], $0x1000, $0x38;
	[tilespmem:$0x4200] =	vst v63  }
0x55: {  	_ =	swait.ge [sflag:s4], $0x1000  }
0x56: {  	[sflag:s4] =	ssyncset.done $0x0  }
0x57: {  	[sflag:s4] =	ssyncadd.s32 $0xFFFFF000  }
0x58: {  	_ =	swait.ge [sflag:s16], $0x1000  }
0x59: {  	[sflag:s16] =	ssyncset.done $0x0  }
0x5a: {  	[sflag:s16] =	ssyncadd.s32 $0xFFFFF000  }
0x5b: {  	[hbm4b:s18+s3] =	stream.linear.scatter [tilespmem:s9], [sflag:$0x2], $0x1000, $0x38;
	[tilespmem:$0x4200] =	vst v63  }
0x5c: {  	_ =	swait.ge [sflag:s4], $0x1000  }
0x5d: {  	[sflag:s4] =	ssyncset.done $0x0  }
0x5e: {  	[sflag:s4] =	ssyncadd.s32 $0xFFFFF000  }
0x5f: {  	_ =	swait.ge [sflag:s16], $0x1000  }
0x60: {  	[sflag:s16] =	ssyncset.done $0x0  }
0x61: {  	[sflag:s16] =	ssyncadd.s32 $0xFFFFF000  }
0x62: {  	[hbm4b:s19+s3] =	stream.linear.scatter [tilespmem:s12], [sflag:$0x2], $0x1000, $0x38;
	[tilespmem:$0x4200] =	vst v63  }
0x63: {  	_ =	swait.ge [sflag:s4], $0x1000  }
0x64: {  	[sflag:s4] =	ssyncset.done $0x0  }
0x65: {  	[sflag:s4] =	ssyncadd.s32 $0xFFFFF000  }
0x66: {  	_ =	swait.ge [sflag:s16], $0x1000  }
.Ltmp1:
0x67: {  	[sflag:s16] =	ssyncset.done $0x0;
	(pc) =	sbr.rel @p0 .LBB2_1-.Ltmp1, $4  }
0x68: {  	[sflag:s16] =	ssyncadd.s32 $0xFFFFF000  }
0x69: {  	[hbm4b:s20+s3] =	stream.linear.scatter [tilespmem:s15], [sflag:$0x2], $0x1000, $0x38;
	[tilespmem:$0x4200] =	vst v63  }
0x6a: {  	_ =	swait.ge [sflag:s4], $0x1000  }
0x6b: {  	[sflag:s4] =	ssyncset.done $0x0  }
.LBB2_2:
0x6c: {  	[sflag:s4] =	ssyncadd.s32 $0xFFFFF000  }
0x6d: {  	_ =	sfence.sel $0x180000  }
0x6e: {  	[bflag:$0x0] =	sbarrier.arrive $0xFFFF  }
0x6f: {  	p0 =	sne.s32 s0, $0x0;
	_ =	strace $0x90000047  }
0x70: {  	s0 =	sadd.s32 @!p0 $0x100000, s1;
	[bflag:$0x2] =	sbarrier.arrive $0xFFFF  }
0x71: {  	[sflag:s0] =	ssyncadd.tile.s32 @!p0 $0x1;
	_ =	shalt  }
.Lfunc_end2:
_tile_overlayer_lowered:
.L_overlay_start_2:
0x72: {  	(tag) =	ssettag $0x2  }
0x73: {  	s0 =	rddreg [dreg:$0x0];
	s2 =	stileid.u32  }
0x74: {  	s1 =	rddreg [dreg:$0x1];
	p0 =	sne.s32 s2, $0x0  }
0x75: {  	s3 =	rddreg [dreg:$0x2];
	[bflag:$0x3] =	sbarrier.arrive $0xFFFF;
	s2 =	simm.s32 @!p0 $0x1C02  }
0x76: {  	[timem:s3], [sflag:s2] =	dma.local @!p0 [hbm:s0], s1  }
0x77: {  	s0 =	simm.s32 @!p0 $0x2  }
0x78: {  	_ =	swait.ge @!p0 [sflag:s0], s1  }
0x79: {  	s1 =	ssub.s32 @!p0 $0x0, s1;
	[sflag:s0] =	ssyncset.done @!p0 $0x0  }
0x7a: {  	[sflag:s0] =	ssyncadd.s32 @!p0 s1  }
0x7b: {  	[bflag:$0x3] =	sbarrier.arrive $0xFFFF  }
0x7c: {  	_ =	shalt  }

</sc_bundles>
